<compile_context>
chip_gen: v7x
topology: tpu7x:2x2x1
jax: 0.10.2.dev20260603
libtpu: 0.0.44.dev20260713+nightly
codegen_flags: <defaults>
</compile_context>

<pallas_src>
import jax
import jax.numpy as jnp
import numpy as np
from jax import lax
from jax.experimental import pallas as pl
from jax.experimental.pallas import tpu as pltpu
from jax.experimental.pallas import tpu_sc as plsc

TOTAL_PIX = 41 * 41
N_CLASSES = 21

SC_MB = 7
SC_OCT = 22
SC_BKT = SC_OCT * (1 << SC_MB)
SC_ROWL = 1696
SC_GROUPS = 84
SC_NW = 32
SC_TLEN = 1704


def _cw_table(r):
    n = np.arange(SC_TLEN, dtype=np.float64)
    m = np.minimum(n, TOTAL_PIX)
    return ((1.0 - r ** m) / (1.0 - r ** TOTAL_PIX)).astype(np.float32)


CW_FG = _cw_table(0.996)
CW_BG = _cw_table(0.999)


def _sc_body(xt_hbm, cwfg_hbm, cwbg_hbm, zeros_hbm,
             fg_hbm, bg_hbm, mx_hbm,
             data_v, hist_v, cwfg_v, cwbg_v, sfg, sbg, smx):
    wid = lax.axis_index("s") * 2 + lax.axis_index("c")
    pltpu.sync_copy(cwfg_hbm, cwfg_v)
    pltpu.sync_copy(cwbg_hbm, cwbg_v)
    pltpu.sync_copy(zeros_hbm, hist_v)
    lanes = lax.iota(jnp.int32, 16)
    ones_i = jnp.ones((16,), jnp.int32)
    zero16_i = jnp.zeros((16,), jnp.int32)
    zero16_f = jnp.zeros((16,), jnp.float32)

    def group_body(gi, carry):
        g = wid + SC_NW * gi

        @pl.when(g < SC_GROUPS)
        def _():
            pltpu.sync_copy(
                xt_hbm.at[pl.ds(g * SC_ROWL * 16, SC_ROWL * 16)], data_v)

            def amax(i, m):
                return jnp.maximum(m, data_v[pl.ds(i * 16, 16)])

            mx = lax.fori_loop(0, SC_ROWL, amax, zero16_f)
            base = ((lax.bitcast_convert_type(mx, jnp.int32) >> (23 - SC_MB))
                    - (SC_BKT - 1))

            def hist_body(i, c):
                bits = lax.bitcast_convert_type(data_v[pl.ds(i * 16, 16)],
                                                jnp.int32)
                key = jnp.clip((bits >> (23 - SC_MB)) - base, 0, SC_BKT - 1)
                plsc.addupdate_scatter(hist_v, [(key << 4) + lanes], ones_i)
                return c

            lax.fori_loop(0, SC_ROWL, hist_body, 0)

            def scan_body(i, carry2):
                n_cnt, pf, pb, tp, af, ab = carry2
                k = SC_BKT - 1 - i
                cnt = hist_v[pl.ds(k * 16, 16)]
                hist_v[pl.ds(k * 16, 16)] = zero16_i
                n2 = n_cnt + cnt
                cf = plsc.load_gather(cwfg_v, [n2])
                cb = plsc.load_gather(cwbg_v, [n2])
                tk = lax.bitcast_convert_type((base + k) << (23 - SC_MB),
                                              jnp.float32)
                dt = tp - tk
                return (n2, cf, cb, tk,
                        af + dt * (pf + cf), ab + dt * (pb + cb))

            t_top = lax.bitcast_convert_type((base + SC_BKT) << (23 - SC_MB),
                                             jnp.float32)
            init = (zero16_i, zero16_f, zero16_f, t_top, zero16_f, zero16_f)
            n_cnt, pf, pb, t0, af, ab = lax.fori_loop(0, SC_BKT, scan_body,
                                                      init)
            sfg[...] = 0.5 * af + t0 * pf
            sbg[...] = 0.5 * ab + t0 * pb
            smx[...] = mx
            pltpu.sync_copy(sfg, fg_hbm.at[pl.ds(g * 16, 16)])
            pltpu.sync_copy(sbg, bg_hbm.at[pl.ds(g * 16, 16)])
            pltpu.sync_copy(smx, mx_hbm.at[pl.ds(g * 16, 16)])

        return carry

    lax.fori_loop(0, (SC_GROUPS + SC_NW - 1) // SC_NW, group_body, 0)


def _sc_dots(xt3, cwfg, cwbg, zeros):
    mesh = plsc.VectorSubcoreMesh(core_axis_name="c", subcore_axis_name="s")
    f = pl.kernel(
        _sc_body,
        mesh=mesh,
        compiler_params=pltpu.CompilerParams(needs_layout_passes=False),
        out_type=[jax.ShapeDtypeStruct((SC_GROUPS * 16,), jnp.float32)] * 3,
        scratch_types=[
            pltpu.VMEM((SC_ROWL * 16,), jnp.float32),
            pltpu.VMEM((SC_BKT * 16,), jnp.int32),
            pltpu.VMEM((SC_TLEN,), jnp.float32),
            pltpu.VMEM((SC_TLEN,), jnp.float32),
            pltpu.VMEM((16,), jnp.float32),
            pltpu.VMEM((16,), jnp.float32),
            pltpu.VMEM((16,), jnp.float32),
        ],
    )
    return f(xt3, cwfg, cwbg, zeros)


def _combine_body(fg_ref, bg_ref, mx_ref, lab_ref, out_ref):
    n_rows = fg_ref.shape[1]
    nb = n_rows // N_CLASSES
    fg2 = fg_ref[...]
    bg2 = bg_ref[...]
    mx2 = mx_ref[...]
    lab = lab_ref[...]
    col = lax.broadcasted_iota(jnp.int32, (1, n_rows), 1) % N_CLASSES
    present = lab != 0
    labf = lab.astype(jnp.float32)

    bg_term = jnp.sum(jnp.where(present & (col == 0), -jnp.log(bg2), 0.0))

    bidx = lax.broadcasted_iota(jnp.int32, (nb, n_rows), 0)
    ridx = lax.broadcasted_iota(jnp.int32, (nb, n_rows), 1) // N_CLASSES
    seg = bidx == ridx

    def seg_sum(v):
        return jnp.sum(jnp.where(seg, v, 0.0), axis=1)

    fg_sum = seg_sum(jnp.where(present & (col != 0), -jnp.log(fg2), 0.0))
    n_fg = seg_sum(jnp.where(col != 0, labf, 0.0))
    nx_sum = seg_sum(jnp.where(~present, -jnp.log(mx2), 0.0))
    n_nx = seg_sum(jnp.where(present, 0.0, 1.0))

    total = bg_term + jnp.sum(fg_sum / n_fg) + jnp.sum(nx_sum / n_nx)
    out_ref[0, 0] = total / nb


def _combine(fg1, bg1, mx1, lab1):
    out = pl.pallas_call(
        _combine_body,
        out_specs=pl.BlockSpec(memory_space=pltpu.SMEM),
        out_shape=jax.ShapeDtypeStruct((1, 1), jnp.float32),
    )(fg1, bg1, mx1, lab1)
    return out[0, 0]


@jax.jit
def kernel(sm_mask, labels):
    batch_size, n_classes = labels.shape
    n_rows = batch_size * n_classes
    x = sm_mask.reshape(n_rows, TOTAL_PIX)
    x_pad = jnp.pad(x, ((0, 0), (0, SC_ROWL - TOTAL_PIX)))
    xt3 = (x_pad.reshape(SC_GROUPS, 16, SC_ROWL)
           .transpose(0, 2, 1).reshape(SC_GROUPS * SC_ROWL * 16))
    zeros = jnp.zeros((SC_BKT * 16,), jnp.int32)
    fg, bg, mx = _sc_dots(xt3, jnp.asarray(CW_FG), jnp.asarray(CW_BG), zeros)
    return _combine(fg.reshape(1, n_rows), bg.reshape(1, n_rows),
                    mx.reshape(1, n_rows), labels.reshape(1, n_rows))

# --- scband reference (transcript-rebuilt; emitter-appended) ---
"""Pipeline reference for scband-expand-loss-layer-28243704938636 (READ-ONLY COPY).

The authoritative reference and input builder live on the scoring server;
editing this copy changes nothing except your own understanding.
"""

import jax, jax.numpy as jnp
import numpy as np

TOTAL = 41 * 41
_wfg = np.array([0.996 ** i for i in range(TOTAL)])
W_FG = jnp.asarray((_wfg / _wfg.sum()).astype('float32'))
_wbg = np.array([0.999 ** i for i in range(TOTAL)])
W_BG = jnp.asarray((_wbg / _wbg.sum()).astype('float32'))


def setup_inputs(seed: int = 0) -> dict:
    key = jax.random.key(seed)
    k1, k2 = jax.random.split(key)
    logits = jax.random.normal(k1, (64, 21, 41, 41), dtype=jnp.float32)
    # sm_mask is a softmax mask over the class dimension (as the name implies)
    sm_mask = jax.nn.softmax(logits, axis=1)
    labels = jax.random.randint(k2, (64, 21), 0, 2, dtype=jnp.int32)
    # guarantees: background present, >=1 foreground class present, >=1 absent class
    labels = labels.at[:, 0].set(1).at[:, 1].set(1).at[:, 2].set(0)
    return {"sm_mask": sm_mask, "labels": labels}


def reference(sm_mask, labels):
    batch_size, n_classes = labels.shape

    def batch_body(i_batch, loss):
        def exi_body(c, carry):
            loss_c, loss_temp_c = carry
            sorted_desc = jnp.sort(sm_mask[i_batch, c].reshape(TOTAL))[::-1]
            present = labels[i_batch, c] != 0
            is_bg = c == 0
            bg_term = jnp.log((sorted_desc * W_BG).sum())
            fg_term = jnp.log((sorted_desc * W_FG).sum())
            loss_c = loss_c - jnp.where(present & is_bg, bg_term, jnp.float32(0.0))
            loss_temp_c = loss_temp_c - jnp.where(present & (~is_bg), fg_term, jnp.float32(0.0))
            return loss_c, loss_temp_c

        loss, loss_temp = jax.lax.fori_loop(
            0, n_classes, exi_body, (loss, jnp.float32(0.0))
        )
        n_fg = labels[i_batch, 1:].sum()
        loss = loss + loss_temp / n_fg

        def nonexi_body(c, loss_temp_c):
            absent = labels[i_batch, c] == 0
            mx_term = jnp.log(sm_mask[i_batch, c].reshape(TOTAL).max())
            return loss_temp_c - jnp.where(absent, mx_term, jnp.float32(0.0))

        loss_temp = jax.lax.fori_loop(0, n_classes, nonexi_body, jnp.float32(0.0))
        n_nonexi = (labels[i_batch] == 0).sum()
        loss = loss + loss_temp / n_nonexi
        return loss

    loss = jax.lax.fori_loop(0, batch_size, batch_body, jnp.float32(0.0))
    return loss / batch_size

if __name__ == "__main__":
    import jax
    _d = setup_inputs()
    print(jax.jit(kernel)(*tuple(_d.values())))

</pallas_src>

<mosaic_0001>
#map = affine_map<(d0, d1) -> (0)>
module attributes {stable_mosaic.version = 14 : i64} {
  func.func @_sc_body(%arg0: i32, %arg1: i32, %arg2: memref<2279424xf32, #tpu.memory_space<hbm>>, %arg3: memref<1704xf32, #tpu.memory_space<hbm>>, %arg4: memref<1704xf32, #tpu.memory_space<hbm>>, %arg5: memref<45056xi32, #tpu.memory_space<hbm>>, %arg6: memref<1344xf32, #tpu.memory_space<hbm>>, %arg7: memref<1344xf32, #tpu.memory_space<hbm>>, %arg8: memref<1344xf32, #tpu.memory_space<hbm>>, %arg9: memref<27136xf32, #tpu.memory_space<vmem>>, %arg10: memref<45056xi32, #tpu.memory_space<vmem>>, %arg11: memref<1704xf32, #tpu.memory_space<vmem>>, %arg12: memref<1704xf32, #tpu.memory_space<vmem>>, %arg13: memref<16xf32, #tpu.memory_space<vmem>>, %arg14: memref<16xf32, #tpu.memory_space<vmem>>, %arg15: memref<16xf32, #tpu.memory_space<vmem>>) attributes {dimension_semantics = [#tpu.dimension_semantics<core_parallel>, #tpu.dimension_semantics<subcore_parallel>], iteration_bounds = array<i64: 2, 16>, scalar_prefetch = 0 : i64, scratch_operands = 7 : i64, tpu.core_type = #tpu.core_type<sc_vector_subcore>, window_params = [{transform_indices = #map}, {transform_indices = #map}, {transform_indices = #map}, {transform_indices = #map}, {transform_indices = #map}, {transform_indices = #map}, {transform_indices = #map}]} {
    %mul3A = arith.constant 2 : i32
    %mul3A_0 = arith.muli %arg1, %mul3A : i32
    %add3A = arith.addi %mul3A_0, %arg0 : i32
    "tpu.region"() ({
      %run_scoped3A = tpu.sem_alloc : memref<!tpu.dma_semaphore, #tpu.memory_space<semaphore_mem>>
      tpu.enqueue_dma source(%arg3 : memref<1704xf32, #tpu.memory_space<hbm>>) target(%arg11 : memref<1704xf32, #tpu.memory_space<vmem>>) target_semaphore(%run_scoped3A : memref<!tpu.dma_semaphore, #tpu.memory_space<semaphore_mem>>)
      tpu.wait_dma2 semaphore(%run_scoped3A : memref<!tpu.dma_semaphore, #tpu.memory_space<semaphore_mem>>) src(%arg3 : memref<1704xf32, #tpu.memory_space<hbm>>) dst(%arg11 : memref<1704xf32, #tpu.memory_space<vmem>>)
      tpu.yield
    }) : () -> ()
    "tpu.region"() ({
      %run_scoped3A = tpu.sem_alloc : memref<!tpu.dma_semaphore, #tpu.memory_space<semaphore_mem>>
      tpu.enqueue_dma source(%arg4 : memref<1704xf32, #tpu.memory_space<hbm>>) target(%arg12 : memref<1704xf32, #tpu.memory_space<vmem>>) target_semaphore(%run_scoped3A : memref<!tpu.dma_semaphore, #tpu.memory_space<semaphore_mem>>)
      tpu.wait_dma2 semaphore(%run_scoped3A : memref<!tpu.dma_semaphore, #tpu.memory_space<semaphore_mem>>) src(%arg4 : memref<1704xf32, #tpu.memory_space<hbm>>) dst(%arg12 : memref<1704xf32, #tpu.memory_space<vmem>>)
      tpu.yield
    }) : () -> ()
    "tpu.region"() ({
      %run_scoped3A = tpu.sem_alloc : memref<!tpu.dma_semaphore, #tpu.memory_space<semaphore_mem>>
      tpu.enqueue_dma source(%arg5 : memref<45056xi32, #tpu.memory_space<hbm>>) target(%arg10 : memref<45056xi32, #tpu.memory_space<vmem>>) target_semaphore(%run_scoped3A : memref<!tpu.dma_semaphore, #tpu.memory_space<semaphore_mem>>)
      tpu.wait_dma2 semaphore(%run_scoped3A : memref<!tpu.dma_semaphore, #tpu.memory_space<semaphore_mem>>) src(%arg5 : memref<45056xi32, #tpu.memory_space<hbm>>) dst(%arg10 : memref<45056xi32, #tpu.memory_space<vmem>>)
      tpu.yield
    }) : () -> ()
    %iota3A = tpu.iota {dimensions = array<i32: 0>} : vector<16xi32>
    %broadcast_in_dim3A = arith.constant 1 : i32
    %broadcast_in_dim3A_1 = vector.broadcast %broadcast_in_dim3A : i32 to vector<16xi32>
    %broadcast_in_dim3A_2 = arith.constant 0 : i32
    %broadcast_in_dim3A_3 = vector.broadcast %broadcast_in_dim3A_2 : i32 to vector<16xi32>
    %broadcast_in_dim3A_4 = arith.constant 0.000000e+00 : f32
    %broadcast_in_dim3A_5 = vector.broadcast %broadcast_in_dim3A_4 : f32 to vector<16xf32>
    %scan3A = arith.constant 0 : i32
    %scan3A_6 = arith.constant 0 : i32
    %scan3A_7 = arith.constant 3 : i32
    %scan3A_8 = arith.addi %scan3A_6, %scan3A_7 : i32
    %scan3A_9 = arith.constant 1 : i32
    scf.for %scan3A_11 = %scan3A_6 to %scan3A_8 step %scan3A_9  : i32 {
      %mul3A_12 = arith.constant 32 : i32
      %mul3A_13 = arith.muli %mul3A_12, %scan3A_11 : i32
      %add3A_14 = arith.addi %add3A, %mul3A_13 : i32
      %lt3A = arith.constant 84 : i32
      %lt3A_15 = arith.cmpi slt, %add3A_14, %lt3A : i32
      %convert_element_type3A = arith.extui %lt3A_15 : i1 to i32
      %cond3A = arith.constant 0 : i32
      %cond3A_16 = arith.cmpi ne, %convert_element_type3A, %cond3A : i32
      scf.if %cond3A_16 {
        %mul3A_17 = arith.constant 1696 : i32
        %mul3A_18 = arith.muli %add3A_14, %mul3A_17 : i32
        %mul3A_19 = arith.constant 16 : i32
        %mul3A_20 = arith.muli %mul3A_18, %mul3A_19 : i32
        "tpu.region"() ({
          %run_scoped3A = tpu.sem_alloc : memref<!tpu.dma_semaphore, #tpu.memory_space<semaphore_mem>>
          %dma_start3A = tpu.memref_slice %arg2[%mul3A_20] : memref<2279424xf32, #tpu.memory_space<hbm>> -> memref<27136xf32, #tpu.memory_space<hbm>>
          %dma_start3A_70 = tpu.memref_slice %arg2[%mul3A_20] : memref<2279424xf32, #tpu.memory_space<hbm>> -> memref<27136xf32, #tpu.memory_space<hbm>>
          tpu.enqueue_dma source(%dma_start3A_70 : memref<27136xf32, #tpu.memory_space<hbm>>) target(%arg9 : memref<27136xf32, #tpu.memory_space<vmem>>) target_semaphore(%run_scoped3A : memref<!tpu.dma_semaphore, #tpu.memory_space<semaphore_mem>>)
          %dma_wait3A = tpu.memref_slice %arg2[%mul3A_20] : memref<2279424xf32, #tpu.memory_space<hbm>> -> memref<27136xf32, #tpu.memory_space<hbm>>
          %dma_wait3A_71 = tpu.memref_slice %arg2[%mul3A_20] : memref<2279424xf32, #tpu.memory_space<hbm>> -> memref<27136xf32, #tpu.memory_space<hbm>>
          tpu.wait_dma2 semaphore(%run_scoped3A : memref<!tpu.dma_semaphore, #tpu.memory_space<semaphore_mem>>) src(%dma_wait3A_71 : memref<27136xf32, #tpu.memory_space<hbm>>) dst(%arg9 : memref<27136xf32, #tpu.memory_space<vmem>>)
          tpu.yield
        }) : () -> ()
        %scan3A_21 = arith.constant 0 : i32
        %scan3A_22 = arith.constant 1696 : i32
        %scan3A_23 = arith.addi %scan3A_21, %scan3A_22 : i32
        %scan3A_24 = arith.constant 1 : i32
        %scan3A_25 = scf.for %scan3A_70 = %scan3A_21 to %scan3A_23 step %scan3A_24 iter_args(%scan3A_71 = %broadcast_in_dim3A_5) -> (vector<16xf32>)  : i32 {
          %mul3A_72 = arith.constant 16 : i32
          %mul3A_73 = arith.muli %scan3A_70, %mul3A_72 : i32
          %get3A = arith.index_cast %mul3A_73 : i32 to index
          %get3A_74 = tpu.vector_load %arg9[%get3A] {strides = array<i32>} : memref<27136xf32, #tpu.memory_space<vmem>>, vector<16xf32>,
          %max3A = arith.maximumf %scan3A_71, %get3A_74 : vector<16xf32>
          scf.yield %max3A : vector<16xf32>
        }
        %scan3A_26 = arith.constant 1696 : i32
        %bitcast_convert_type3A = tpu.bitcast %scan3A_25 : vector<16xf32> -> vector<16xi32>
        %shift_right_arithmetic3A = arith.constant 16 : i32
        %shift_right_arithmetic3A_27 = vector.broadcast %shift_right_arithmetic3A : i32 to vector<16xi32>
        %shift_right_arithmetic3A_28 = arith.shrsi %bitcast_convert_type3A, %shift_right_arithmetic3A_27 : vector<16xi32>
        %sub3A = arith.constant 2815 : i32
        %sub3A_29 = vector.broadcast %sub3A : i32 to vector<16xi32>
        %sub3A_30 = arith.subi %shift_right_arithmetic3A_28, %sub3A_29 : vector<16xi32>
        %scan3A_31 = arith.constant 0 : i32
        %scan3A_32 = arith.constant 0 : i32
        %scan3A_33 = arith.constant 1696 : i32
        %scan3A_34 = arith.addi %scan3A_32, %scan3A_33 : i32
        %scan3A_35 = arith.constant 1 : i32
        scf.for %scan3A_70 = %scan3A_32 to %scan3A_34 step %scan3A_35  : i32 {
          %mul3A_71 = arith.constant 16 : i32
          %mul3A_72 = arith.muli %scan3A_70, %mul3A_71 : i32
          %get3A = arith.index_cast %mul3A_72 : i32 to index
          %get3A_73 = tpu.vector_load %arg9[%get3A] {strides = array<i32>} : memref<27136xf32, #tpu.memory_space<vmem>>, vector<16xf32>,
          %bitcast_convert_type3A_74 = tpu.bitcast %get3A_73 : vector<16xf32> -> vector<16xi32>
          %shift_right_arithmetic3A_75 = arith.constant 16 : i32
          %shift_right_arithmetic3A_76 = vector.broadcast %shift_right_arithmetic3A_75 : i32 to vector<16xi32>
          %shift_right_arithmetic3A_77 = arith.shrsi %bitcast_convert_type3A_74, %shift_right_arithmetic3A_76 : vector<16xi32>
          %sub3A_78 = arith.subi %shift_right_arithmetic3A_77, %sub3A_30 : vector<16xi32>
          %jit3A = arith.constant 0 : i32
          %jit3A_79 = arith.constant 2815 : i32
          %max3A = vector.broadcast %jit3A : i32 to vector<16xi32>
          %max3A_80 = arith.maxsi %max3A, %sub3A_78 : vector<16xi32>
          %min3A = vector.broadcast %jit3A_79 : i32 to vector<16xi32>
          %min3A_81 = arith.minsi %min3A, %max3A_80 : vector<16xi32>
          %shift_left3A_82 = arith.constant 4 : i32
          %shift_left3A_83 = vector.broadcast %shift_left3A_82 : i32 to vector<16xi32>
          %shift_left3A_84 = arith.shli %min3A_81, %shift_left3A_83 : vector<16xi32>
          %add3A_85 = arith.addi %shift_left3A_84, %iota3A : vector<16xi32>
          tpu.vector_store_idx %arg10[%add3A_85], %broadcast_in_dim3A_1 {add = true} : memref<45056xi32, #tpu.memory_space<vmem>>[vector<16xi32>], vector<16xi32>,
        }
        %scan3A_36 = arith.constant 1696 : i32
        %add3A_37 = arith.constant 2816 : i32
        %add3A_38 = vector.broadcast %add3A_37 : i32 to vector<16xi32>
        %add3A_39 = arith.addi %sub3A_30, %add3A_38 : vector<16xi32>
        %shift_left3A = arith.constant 16 : i32
        %shift_left3A_40 = vector.broadcast %shift_left3A : i32 to vector<16xi32>
        %shift_left3A_41 = arith.shli %add3A_39, %shift_left3A_40 : vector<16xi32>
        %bitcast_convert_type3A_42 = tpu.bitcast %shift_left3A_41 : vector<16xi32> -> vector<16xf32>
        %scan3A_43 = arith.constant 0 : i32
        %scan3A_44 = arith.constant 2816 : i32
        %scan3A_45 = arith.addi %scan3A_43, %scan3A_44 : i32
        %scan3A_46 = arith.constant 1 : i32
        %scan3A_47:6 = scf.for %scan3A_70 = %scan3A_43 to %scan3A_45 step %scan3A_46 iter_args(%scan3A_71 = %broadcast_in_dim3A_3, %scan3A_72 = %broadcast_in_dim3A_5, %scan3A_73 = %broadcast_in_dim3A_5, %scan3A_74 = %bitcast_convert_type3A_42, %scan3A_75 = %broadcast_in_dim3A_5, %scan3A_76 = %broadcast_in_dim3A_5) -> (vector<16xi32>, vector<16xf32>, vector<16xf32>, vector<16xf32>, vector<16xf32>, vector<16xf32>)  : i32 {
          %sub3A_77 = arith.constant 2815 : i32
          %sub3A_78 = arith.subi %sub3A_77, %scan3A_70 : i32
          %mul3A_79 = arith.constant 16 : i32
          %mul3A_80 = arith.muli %sub3A_78, %mul3A_79 : i32
          %get3A = arith.index_cast %mul3A_80 : i32 to index
          %get3A_81 = tpu.vector_load %arg10[%get3A] {strides = array<i32>} : memref<45056xi32, #tpu.memory_space<vmem>>, vector<16xi32>,
          %mul3A_82 = arith.constant 16 : i32
          %mul3A_83 = arith.muli %sub3A_78, %mul3A_82 : i32
          %swap3A_84 = arith.index_cast %mul3A_83 : i32 to index
          %swap3A_85 = tpu.vector_load %arg10[%swap3A_84] {strides = array<i32>} : memref<45056xi32, #tpu.memory_space<vmem>>, vector<16xi32>,
          tpu.vector_store %arg10[%swap3A_84], %broadcast_in_dim3A_3 {strides = array<i32>} : memref<45056xi32, #tpu.memory_space<vmem>>, vector<16xi32>,
          %add3A_86 = arith.addi %scan3A_71, %get3A_81 : vector<16xi32>
          %gather3A = tpu.vector_load_idx %arg11[%add3A_86] : memref<1704xf32, #tpu.memory_space<vmem>>[vector<16xi32>], vector<16xf32>,
          %gather3A_87 = tpu.vector_load_idx %arg12[%add3A_86] : memref<1704xf32, #tpu.memory_space<vmem>>[vector<16xi32>], vector<16xf32>,
          %add3A_88 = vector.broadcast %sub3A_78 : i32 to vector<16xi32>
          %add3A_89 = arith.addi %sub3A_30, %add3A_88 : vector<16xi32>
          %shift_left3A_90 = arith.constant 16 : i32
          %shift_left3A_91 = vector.broadcast %shift_left3A_90 : i32 to vector<16xi32>
          %shift_left3A_92 = arith.shli %add3A_89, %shift_left3A_91 : vector<16xi32>
          %bitcast_convert_type3A_93 = tpu.bitcast %shift_left3A_92 : vector<16xi32> -> vector<16xf32>
          %sub3A_94 = arith.subf %scan3A_74, %bitcast_convert_type3A_93 : vector<16xf32>
          %add3A_95 = arith.addf %scan3A_72, %gather3A : vector<16xf32>
          %mul3A_96 = arith.mulf %sub3A_94, %add3A_95 : vector<16xf32>
          %add3A_97 = arith.addf %scan3A_75, %mul3A_96 : vector<16xf32>
          %add3A_98 = arith.addf %scan3A_73, %gather3A_87 : vector<16xf32>
          %mul3A_99 = arith.mulf %sub3A_94, %add3A_98 : vector<16xf32>
          %add3A_100 = arith.addf %scan3A_76, %mul3A_99 : vector<16xf32>
          scf.yield %add3A_86, %gather3A, %gather3A_87, %bitcast_convert_type3A_93, %add3A_97, %add3A_100 : vector<16xi32>, vector<16xf32>, vector<16xf32>, vector<16xf32>, vector<16xf32>, vector<16xf32>
        }
        %scan3A_48 = arith.constant 2816 : i32
        %mul3A_49 = arith.constant 5.000000e-01 : f32
        %mul3A_50 = vector.broadcast %mul3A_49 : f32 to vector<16xf32>
        %mul3A_51 = arith.mulf %mul3A_50, %scan3A_47#4 : vector<16xf32>
        %mul3A_52 = arith.mulf %scan3A_47#3, %scan3A_47#1 : vector<16xf32>
        %add3A_53 = arith.addf %mul3A_51, %mul3A_52 : vector<16xf32>
        %swap3A = arith.constant 0 : index
        %swap3A_54 = tpu.vector_load %arg13[%swap3A] {strides = array<i32>} : memref<16xf32, #tpu.memory_space<vmem>>, vector<16xf32>,
        tpu.vector_store %arg13[%swap3A], %add3A_53 {strides = array<i32>} : memref<16xf32, #tpu.memory_space<vmem>>, vector<16xf32>,
        %mul3A_55 = arith.constant 5.000000e-01 : f32
        %mul3A_56 = vector.broadcast %mul3A_55 : f32 to vector<16xf32>
        %mul3A_57 = arith.mulf %mul3A_56, %scan3A_47#5 : vector<16xf32>
        %mul3A_58 = arith.mulf %scan3A_47#3, %scan3A_47#2 : vector<16xf32>
        %add3A_59 = arith.addf %mul3A_57, %mul3A_58 : vector<16xf32>
        %swap3A_60 = arith.constant 0 : index
        %swap3A_61 = tpu.vector_load %arg14[%swap3A_60] {strides = array<i32>} : memref<16xf32, #tpu.memory_space<vmem>>, vector<16xf32>,
        tpu.vector_store %arg14[%swap3A_60], %add3A_59 {strides = array<i32>} : memref<16xf32, #tpu.memory_space<vmem>>, vector<16xf32>,
        %swap3A_62 = arith.constant 0 : index
        %swap3A_63 = tpu.vector_load %arg15[%swap3A_62] {strides = array<i32>} : memref<16xf32, #tpu.memory_space<vmem>>, vector<16xf32>,
        tpu.vector_store %arg15[%swap3A_62], %scan3A_25 {strides = array<i32>} : memref<16xf32, #tpu.memory_space<vmem>>, vector<16xf32>,
        %mul3A_64 = arith.constant 16 : i32
        %mul3A_65 = arith.muli %add3A_14, %mul3A_64 : i32
        "tpu.region"() ({
          %run_scoped3A = tpu.sem_alloc : memref<!tpu.dma_semaphore, #tpu.memory_space<semaphore_mem>>
          %dma_start3A = tpu.memref_slice %arg6[%mul3A_65] : memref<1344xf32, #tpu.memory_space<hbm>> -> memref<16xf32, #tpu.memory_space<hbm>>
          %dma_start3A_70 = tpu.memref_slice %arg6[%mul3A_65] : memref<1344xf32, #tpu.memory_space<hbm>> -> memref<16xf32, #tpu.memory_space<hbm>>
          tpu.enqueue_dma source(%arg13 : memref<16xf32, #tpu.memory_space<vmem>>) target(%dma_start3A_70 : memref<16xf32, #tpu.memory_space<hbm>>) target_semaphore(%run_scoped3A : memref<!tpu.dma_semaphore, #tpu.memory_space<semaphore_mem>>)
          %dma_wait3A = tpu.memref_slice %arg6[%mul3A_65] : memref<1344xf32, #tpu.memory_space<hbm>> -> memref<16xf32, #tpu.memory_space<hbm>>
          %dma_wait3A_71 = tpu.memref_slice %arg6[%mul3A_65] : memref<1344xf32, #tpu.memory_space<hbm>> -> memref<16xf32, #tpu.memory_space<hbm>>
          tpu.wait_dma2 semaphore(%run_scoped3A : memref<!tpu.dma_semaphore, #tpu.memory_space<semaphore_mem>>) src(%arg13 : memref<16xf32, #tpu.memory_space<vmem>>) dst(%dma_wait3A_71 : memref<16xf32, #tpu.memory_space<hbm>>)
          tpu.yield
        }) : () -> ()
        %mul3A_66 = arith.constant 16 : i32
        %mul3A_67 = arith.muli %add3A_14, %mul3A_66 : i32
        "tpu.region"() ({
          %run_scoped3A = tpu.sem_alloc : memref<!tpu.dma_semaphore, #tpu.memory_space<semaphore_mem>>
          %dma_start3A = tpu.memref_slice %arg7[%mul3A_67] : memref<1344xf32, #tpu.memory_space<hbm>> -> memref<16xf32, #tpu.memory_space<hbm>>
          %dma_start3A_70 = tpu.memref_slice %arg7[%mul3A_67] : memref<1344xf32, #tpu.memory_space<hbm>> -> memref<16xf32, #tpu.memory_space<hbm>>
          tpu.enqueue_dma source(%arg14 : memref<16xf32, #tpu.memory_space<vmem>>) target(%dma_start3A_70 : memref<16xf32, #tpu.memory_space<hbm>>) target_semaphore(%run_scoped3A : memref<!tpu.dma_semaphore, #tpu.memory_space<semaphore_mem>>)
          %dma_wait3A = tpu.memref_slice %arg7[%mul3A_67] : memref<1344xf32, #tpu.memory_space<hbm>> -> memref<16xf32, #tpu.memory_space<hbm>>
          %dma_wait3A_71 = tpu.memref_slice %arg7[%mul3A_67] : memref<1344xf32, #tpu.memory_space<hbm>> -> memref<16xf32, #tpu.memory_space<hbm>>
          tpu.wait_dma2 semaphore(%run_scoped3A : memref<!tpu.dma_semaphore, #tpu.memory_space<semaphore_mem>>) src(%arg14 : memref<16xf32, #tpu.memory_space<vmem>>) dst(%dma_wait3A_71 : memref<16xf32, #tpu.memory_space<hbm>>)
          tpu.yield
        }) : () -> ()
        %mul3A_68 = arith.constant 16 : i32
        %mul3A_69 = arith.muli %add3A_14, %mul3A_68 : i32
        "tpu.region"() ({
          %run_scoped3A = tpu.sem_alloc : memref<!tpu.dma_semaphore, #tpu.memory_space<semaphore_mem>>
          %dma_start3A = tpu.memref_slice %arg8[%mul3A_69] : memref<1344xf32, #tpu.memory_space<hbm>> -> memref<16xf32, #tpu.memory_space<hbm>>
          %dma_start3A_70 = tpu.memref_slice %arg8[%mul3A_69] : memref<1344xf32, #tpu.memory_space<hbm>> -> memref<16xf32, #tpu.memory_space<hbm>>
          tpu.enqueue_dma source(%arg15 : memref<16xf32, #tpu.memory_space<vmem>>) target(%dma_start3A_70 : memref<16xf32, #tpu.memory_space<hbm>>) target_semaphore(%run_scoped3A : memref<!tpu.dma_semaphore, #tpu.memory_space<semaphore_mem>>)
          %dma_wait3A = tpu.memref_slice %arg8[%mul3A_69] : memref<1344xf32, #tpu.memory_space<hbm>> -> memref<16xf32, #tpu.memory_space<hbm>>
          %dma_wait3A_71 = tpu.memref_slice %arg8[%mul3A_69] : memref<1344xf32, #tpu.memory_space<hbm>> -> memref<16xf32, #tpu.memory_space<hbm>>
          tpu.wait_dma2 semaphore(%run_scoped3A : memref<!tpu.dma_semaphore, #tpu.memory_space<semaphore_mem>>) src(%arg15 : memref<16xf32, #tpu.memory_space<vmem>>) dst(%dma_wait3A_71 : memref<16xf32, #tpu.memory_space<hbm>>)
          tpu.yield
        }) : () -> ()
      } else {
      }
    }
    %scan3A_10 = arith.constant 3 : i32
    return
  }
}

module attributes {stable_mosaic.version = 14 : i64} {
  func.func @_combine_body(%arg0: memref<1x1344xf32, #tpu.memory_space<vmem>>, %arg1: memref<1x1344xf32, #tpu.memory_space<vmem>>, %arg2: memref<1x1344xf32, #tpu.memory_space<vmem>>, %arg3: memref<1x1344xi32, #tpu.memory_space<vmem>>, %arg4: memref<1x1xf32, #tpu.memory_space<smem>>) attributes {dimension_semantics = [], scalar_prefetch = 0 : i64, scratch_operands = 0 : i64, tpu.core_type = #tpu.core_type<tc>} {
    %get3A = arith.constant 0 : index
    %get3A_0 = arith.constant 0 : index
    %get3A_1 = vector.load %arg0[%get3A, %get3A_0] : memref<1x1344xf32, #tpu.memory_space<vmem>>, vector<1x1344xf32>
    %get3A_2 = arith.constant 0 : index
    %get3A_3 = arith.constant 0 : index
    %get3A_4 = vector.load %arg1[%get3A_2, %get3A_3] : memref<1x1344xf32, #tpu.memory_space<vmem>>, vector<1x1344xf32>
    %get3A_5 = arith.constant 0 : index
    %get3A_6 = arith.constant 0 : index
    %get3A_7 = vector.load %arg2[%get3A_5, %get3A_6] : memref<1x1344xf32, #tpu.memory_space<vmem>>, vector<1x1344xf32>
    %get3A_8 = arith.constant 0 : index
    %get3A_9 = arith.constant 0 : index
    %get3A_10 = vector.load %arg3[%get3A_8, %get3A_9] : memref<1x1344xi32, #tpu.memory_space<vmem>>, vector<1x1344xi32>
    %iota3A = tpu.iota {dimensions = array<i32: 1>} : vector<1x1344xi32>
    %jit3A = arith.constant 21 : i32
    %eq3A = arith.constant 0 : i32
    %eq3A_11 = arith.cmpi eq, %jit3A, %eq3A : i32
    %jit3A_12 = arith.constant 1 : i32
    %select_n3A = arith.select %eq3A_11, %jit3A_12, %jit3A : i32
    %rem3A = vector.broadcast %select_n3A : i32 to vector<1x1344xi32>
    %rem3A_13 = arith.remsi %iota3A, %rem3A : vector<1x1344xi32>
    %ne3A = arith.constant 0 : i32
    %ne3A_14 = vector.broadcast %ne3A : i32 to vector<1x1344xi32>
    %ne3A_15 = arith.cmpi ne, %rem3A_13, %ne3A_14 : vector<1x1344xi32>
    %lt3A = arith.constant 0 : i32
    %lt3A_16 = vector.broadcast %lt3A : i32 to vector<1x1344xi32>
    %lt3A_17 = arith.cmpi slt, %rem3A_13, %lt3A_16 : vector<1x1344xi32>
    %lt3A_18 = arith.constant 0 : i32
    %lt3A_19 = arith.cmpi slt, %select_n3A, %lt3A_18 : i32
    %ne3A_20 = vector.broadcast %lt3A_19 : i1 to vector<1x1344xi1>
    %ne3A_21 = vector.broadcast %ne3A_20 : vector<1x1344xi1> to vector<1x1344xi1>
    %ne3A_22 = arith.xori %lt3A_17, %ne3A_21 : vector<1x1344xi1>
    %and3A = arith.andi %ne3A_22, %ne3A_15 : vector<1x1344xi1>
    %add3A = vector.broadcast %select_n3A : i32 to vector<1x1344xi32>
    %add3A_23 = arith.addi %rem3A_13, %add3A : vector<1x1344xi32>
    %select_n3A_24 = arith.select %and3A, %add3A_23, %rem3A_13 : vector<1x1344xi1>, vector<1x1344xi32>
    %ne3A_25 = arith.constant 0 : i32
    %ne3A_26 = vector.broadcast %ne3A_25 : i32 to vector<1x1344xi32>
    %ne3A_27 = arith.cmpi ne, %get3A_10, %ne3A_26 : vector<1x1344xi32>
    %convert_element_type3A = arith.sitofp %get3A_10 : vector<1x1344xi32> to vector<1x1344xf32>
    %eq3A_28 = arith.constant 0 : i32
    %eq3A_29 = vector.broadcast %eq3A_28 : i32 to vector<1x1344xi32>
    %eq3A_30 = arith.cmpi eq, %select_n3A_24, %eq3A_29 : vector<1x1344xi32>
    %and3A_31 = arith.andi %ne3A_27, %eq3A_30 : vector<1x1344xi1>
    %log3A = math.log %get3A_4 : vector<1x1344xf32>
    %neg3A = arith.constant 0.000000e+00 : f32
    %neg3A_32 = vector.broadcast %neg3A : f32 to vector<1x1344xf32>
    %neg3A_33 = arith.subf %neg3A_32, %log3A : vector<1x1344xf32>
    %jit3A_34 = arith.constant 0.000000e+00 : f32
    %broadcast_in_dim3A = vector.broadcast %jit3A_34 : f32 to vector<1x1344xf32>
    %select_n3A_35 = arith.select %and3A_31, %neg3A_33, %broadcast_in_dim3A : vector<1x1344xi1>, vector<1x1344xf32>
    %reduce_sum3A = vector.shape_cast %select_n3A_35 : vector<1x1344xf32> to vector<1x1x1344xf32>
    %reduce_sum3A_36 = arith.constant dense<0.000000e+00> : vector<1xf32>
    %reduce_sum3A_37 = vector.multi_reduction <add>, %reduce_sum3A, %reduce_sum3A_36 [1, 2] : vector<1x1x1344xf32> to vector<1xf32>
    %reduce_sum3A_38 = vector.shape_cast %reduce_sum3A_37 : vector<1xf32> to vector<1x1x1xf32>
    %reduce_sum3A_39 = vector.extract %reduce_sum3A_38[0, 0, 0] : f32 from vector<1x1x1xf32>
    %iota3A_40 = tpu.iota {dimensions = array<i32: 0>} : vector<64x1344xi32>
    %iota3A_41 = tpu.iota {dimensions = array<i32: 1>} : vector<64x1344xi32>
    %jit3A_42 = arith.constant 21 : i32
    %div3A = vector.broadcast %jit3A_42 : i32 to vector<64x1344xi32>
    %div3A_43 = arith.divsi %iota3A_41, %div3A : vector<64x1344xi32>
    %sign3A = arith.constant 0 : i32
    %sign3A_44 = vector.broadcast %sign3A : i32 to vector<64x1344xi32>
    %sign3A_45 = arith.cmpi sgt, %iota3A_41, %sign3A_44 : vector<64x1344xi32>
    %sign3A_46 = arith.extui %sign3A_45 : vector<64x1344xi1> to vector<64x1344xi32>
    %sign3A_47 = arith.constant 0 : i32
    %sign3A_48 = vector.broadcast %sign3A_47 : i32 to vector<64x1344xi32>
    %sign3A_49 = arith.cmpi slt, %iota3A_41, %sign3A_48 : vector<64x1344xi32>
    %sign3A_50 = arith.extui %sign3A_49 : vector<64x1344xi1> to vector<64x1344xi32>
    %sign3A_51 = arith.subi %sign3A_46, %sign3A_50 : vector<64x1344xi32>
    %sign3A_52 = arith.constant 0 : i32
    %sign3A_53 = arith.cmpi sgt, %jit3A_42, %sign3A_52 : i32
    %sign3A_54 = arith.extui %sign3A_53 : i1 to i32
    %sign3A_55 = arith.constant 0 : i32
    %sign3A_56 = arith.cmpi slt, %jit3A_42, %sign3A_55 : i32
    %sign3A_57 = arith.extui %sign3A_56 : i1 to i32
    %sign3A_58 = arith.subi %sign3A_54, %sign3A_57 : i32
    %ne3A_59 = vector.broadcast %sign3A_58 : i32 to vector<64x1344xi32>
    %ne3A_60 = arith.cmpi ne, %sign3A_51, %ne3A_59 : vector<64x1344xi32>
    %rem3A_61 = vector.broadcast %jit3A_42 : i32 to vector<64x1344xi32>
    %rem3A_62 = arith.remsi %iota3A_41, %rem3A_61 : vector<64x1344xi32>
    %ne3A_63 = arith.constant 0 : i32
    %ne3A_64 = vector.broadcast %ne3A_63 : i32 to vector<64x1344xi32>
    %ne3A_65 = arith.cmpi ne, %rem3A_62, %ne3A_64 : vector<64x1344xi32>
    %and3A_66 = arith.andi %ne3A_60, %ne3A_65 : vector<64x1344xi1>
    %sub3A = arith.constant 1 : i32
    %sub3A_67 = vector.broadcast %sub3A : i32 to vector<64x1344xi32>
    %sub3A_68 = arith.subi %div3A_43, %sub3A_67 : vector<64x1344xi32>
    %select_n3A_69 = arith.select %and3A_66, %sub3A_68, %div3A_43 : vector<64x1344xi1>, vector<64x1344xi32>
    %eq3A_70 = arith.cmpi eq, %iota3A_40, %select_n3A_69 : vector<64x1344xi32>
    %ne3A_71 = arith.constant 0 : i32
    %ne3A_72 = vector.broadcast %ne3A_71 : i32 to vector<1x1344xi32>
    %ne3A_73 = arith.cmpi ne, %select_n3A_24, %ne3A_72 : vector<1x1344xi32>
    %and3A_74 = arith.andi %ne3A_27, %ne3A_73 : vector<1x1344xi1>
    %log3A_75 = math.log %get3A_1 : vector<1x1344xf32>
    %neg3A_76 = arith.constant 0.000000e+00 : f32
    %neg3A_77 = vector.broadcast %neg3A_76 : f32 to vector<1x1344xf32>
    %neg3A_78 = arith.subf %neg3A_77, %log3A_75 : vector<1x1344xf32>
    %jit3A_79 = arith.constant 0.000000e+00 : f32
    %broadcast_in_dim3A_80 = vector.broadcast %jit3A_79 : f32 to vector<1x1344xf32>
    %select_n3A_81 = arith.select %and3A_74, %neg3A_78, %broadcast_in_dim3A_80 : vector<1x1344xi1>, vector<1x1344xf32>
    %jit3A_82 = arith.constant 0.000000e+00 : f32
    %broadcast_in_dim3A_83 = vector.shape_cast %select_n3A_81 : vector<1x1344xf32> to vector<1x1344xf32>
    %broadcast_in_dim3A_84 = vector.broadcast %broadcast_in_dim3A_83 : vector<1x1344xf32> to vector<64x1344xf32>
    %broadcast_in_dim3A_85 = vector.broadcast %jit3A_82 : f32 to vector<64x1344xf32>
    %select_n3A_86 = arith.select %eq3A_70, %broadcast_in_dim3A_84, %broadcast_in_dim3A_85 : vector<64x1344xi1>, vector<64x1344xf32>
    %reduce_sum3A_87 = arith.constant dense<0.000000e+00> : vector<64xf32>
    %reduce_sum3A_88 = vector.multi_reduction <add>, %select_n3A_86, %reduce_sum3A_87 [1] : vector<64x1344xf32> to vector<64xf32>
    %ne3A_89 = arith.constant 0 : i32
    %ne3A_90 = vector.broadcast %ne3A_89 : i32 to vector<1x1344xi32>
    %ne3A_91 = arith.cmpi ne, %select_n3A_24, %ne3A_90 : vector<1x1344xi32>
    %jit3A_92 = arith.constant 0.000000e+00 : f32
    %broadcast_in_dim3A_93 = vector.broadcast %jit3A_92 : f32 to vector<1x1344xf32>
    %select_n3A_94 = arith.select %ne3A_91, %convert_element_type3A, %broadcast_in_dim3A_93 : vector<1x1344xi1>, vector<1x1344xf32>
    %jit3A_95 = arith.constant 0.000000e+00 : f32
    %broadcast_in_dim3A_96 = vector.shape_cast %select_n3A_94 : vector<1x1344xf32> to vector<1x1344xf32>
    %broadcast_in_dim3A_97 = vector.broadcast %broadcast_in_dim3A_96 : vector<1x1344xf32> to vector<64x1344xf32>
    %broadcast_in_dim3A_98 = vector.broadcast %jit3A_95 : f32 to vector<64x1344xf32>
    %select_n3A_99 = arith.select %eq3A_70, %broadcast_in_dim3A_97, %broadcast_in_dim3A_98 : vector<64x1344xi1>, vector<64x1344xf32>
    %reduce_sum3A_100 = arith.constant dense<0.000000e+00> : vector<64xf32>
    %reduce_sum3A_101 = vector.multi_reduction <add>, %select_n3A_99, %reduce_sum3A_100 [1] : vector<64x1344xf32> to vector<64xf32>
    %not3A = arith.constant dense<true> : vector<1x1344xi1>
    %not3A_102 = arith.xori %ne3A_27, %not3A : vector<1x1344xi1>
    %log3A_103 = math.log %get3A_7 : vector<1x1344xf32>
    %neg3A_104 = arith.constant 0.000000e+00 : f32
    %neg3A_105 = vector.broadcast %neg3A_104 : f32 to vector<1x1344xf32>
    %neg3A_106 = arith.subf %neg3A_105, %log3A_103 : vector<1x1344xf32>
    %jit3A_107 = arith.constant 0.000000e+00 : f32
    %broadcast_in_dim3A_108 = vector.broadcast %jit3A_107 : f32 to vector<1x1344xf32>
    %select_n3A_109 = arith.select %not3A_102, %neg3A_106, %broadcast_in_dim3A_108 : vector<1x1344xi1>, vector<1x1344xf32>
    %jit3A_110 = arith.constant 0.000000e+00 : f32
    %broadcast_in_dim3A_111 = vector.shape_cast %select_n3A_109 : vector<1x1344xf32> to vector<1x1344xf32>
    %broadcast_in_dim3A_112 = vector.broadcast %broadcast_in_dim3A_111 : vector<1x1344xf32> to vector<64x1344xf32>
    %broadcast_in_dim3A_113 = vector.broadcast %jit3A_110 : f32 to vector<64x1344xf32>
    %select_n3A_114 = arith.select %eq3A_70, %broadcast_in_dim3A_112, %broadcast_in_dim3A_113 : vector<64x1344xi1>, vector<64x1344xf32>
    %reduce_sum3A_115 = arith.constant dense<0.000000e+00> : vector<64xf32>
    %reduce_sum3A_116 = vector.multi_reduction <add>, %select_n3A_114, %reduce_sum3A_115 [1] : vector<64x1344xf32> to vector<64xf32>
    %jit3A_117 = arith.constant 0.000000e+00 : f32
    %jit3A_118 = arith.constant 1.000000e+00 : f32
    %broadcast_in_dim3A_119 = vector.broadcast %jit3A_117 : f32 to vector<1x1344xf32>
    %broadcast_in_dim3A_120 = vector.broadcast %jit3A_118 : f32 to vector<1x1344xf32>
    %select_n3A_121 = arith.select %ne3A_27, %broadcast_in_dim3A_119, %broadcast_in_dim3A_120 : vector<1x1344xi1>, vector<1x1344xf32>
    %jit3A_122 = arith.constant 0.000000e+00 : f32
    %broadcast_in_dim3A_123 = vector.shape_cast %select_n3A_121 : vector<1x1344xf32> to vector<1x1344xf32>
    %broadcast_in_dim3A_124 = vector.broadcast %broadcast_in_dim3A_123 : vector<1x1344xf32> to vector<64x1344xf32>
    %broadcast_in_dim3A_125 = vector.broadcast %jit3A_122 : f32 to vector<64x1344xf32>
    %select_n3A_126 = arith.select %eq3A_70, %broadcast_in_dim3A_124, %broadcast_in_dim3A_125 : vector<64x1344xi1>, vector<64x1344xf32>
    %reduce_sum3A_127 = arith.constant dense<0.000000e+00> : vector<64xf32>
    %reduce_sum3A_128 = vector.multi_reduction <add>, %select_n3A_126, %reduce_sum3A_127 [1] : vector<64x1344xf32> to vector<64xf32>
    %div3A_129 = arith.divf %reduce_sum3A_88, %reduce_sum3A_101 : vector<64xf32>
    %reduce_sum3A_130 = vector.shape_cast %div3A_129 : vector<64xf32> to vector<1x64xf32>
    %reduce_sum3A_131 = arith.constant dense<0.000000e+00> : vector<1xf32>
    %reduce_sum3A_132 = vector.multi_reduction <add>, %reduce_sum3A_130, %reduce_sum3A_131 [1] : vector<1x64xf32> to vector<1xf32>
    %reduce_sum3A_133 = vector.shape_cast %reduce_sum3A_132 : vector<1xf32> to vector<1x1xf32>
    %reduce_sum3A_134 = vector.extract %reduce_sum3A_133[0, 0] : f32 from vector<1x1xf32>
    %add3A_135 = arith.addf %reduce_sum3A_39, %reduce_sum3A_134 : f32
    %div3A_136 = arith.divf %reduce_sum3A_116, %reduce_sum3A_128 : vector<64xf32>
    %reduce_sum3A_137 = vector.shape_cast %div3A_136 : vector<64xf32> to vector<1x64xf32>
    %reduce_sum3A_138 = arith.constant dense<0.000000e+00> : vector<1xf32>
    %reduce_sum3A_139 = vector.multi_reduction <add>, %reduce_sum3A_137, %reduce_sum3A_138 [1] : vector<1x64xf32> to vector<1xf32>
    %reduce_sum3A_140 = vector.shape_cast %reduce_sum3A_139 : vector<1xf32> to vector<1x1xf32>
    %reduce_sum3A_141 = vector.extract %reduce_sum3A_140[0, 0] : f32 from vector<1x1xf32>
    %add3A_142 = arith.addf %add3A_135, %reduce_sum3A_141 : f32
    %div3A_143 = arith.constant 6.400000e+01 : f32
    %div3A_144 = arith.divf %add3A_142, %div3A_143 : f32
    %swap3A = arith.constant 0 : index
    %swap3A_145 = arith.constant 0 : index
    %swap3A_146 = memref.load %arg4[%swap3A, %swap3A_145] : memref<1x1xf32, #tpu.memory_space<smem>>
    memref.store %div3A_144, %arg4[%swap3A, %swap3A_145] : memref<1x1xf32, #tpu.memory_space<smem>>
    return
  }
}

</mosaic_0001>

<sc_bundles>
// kernel: kernel.4.cloned.1.call-start
scs
__scs_entry_jumppad:
0x0: {  	(pc) =	sbr.rel $0x88, $3  }
0x1: {  	(tag) =	ssettag $0x0;
	lr =	simm.s32 $0x1  }
0x2: {  	[smem:$0x3F9F] =	sst lr;
	_ =	strace $0xD0000000  }
0x3: {  	_ = 	snop  }
0x4: {  	_ = 	snop  }
0x5: {  	_ = 	snop  }
0x6: {  	_ = 	snop  }
0x7: {  	_ = 	snop  }
__scs_overlays_trampoline_lowered:
0x8: {  	[smem:$0x3FAE] =	sst s0  }
0x9: {  	[smem:$0x3FAF] =	sst s1  }
0xa: {  	[smem:$0x3FB0] =	sst s2  }
0xb: {  	[smem:$0x3FB1] =	sst s3  }
0xc: {  	[smem:$0x3FB2] =	sst s4  }
0xd: {  	[smem:$0x3FB3] =	sst s5  }
0xe: {  	[smem:$0x3FB4] =	sst s6  }
0xf: {  	[smem:$0x3FB5] =	sst s7  }
0x10: {  	[smem:$0x3FB6] =	sst s8  }
0x11: {  	[smem:$0x3FB7] =	sst s9;
	s0 =	simm.s32 @!p0 $0x0  }
0x12: {  	s1 =	sld [smem:$0x3F9D];
	s0 =	simm.s32 @p0 $0x1  }
0x13: {  	[smem:$0x3FB8] =	sst s0;
	s0 =	simm.s32 @!p1 $0x0  }
0x14: {  	s2 =	sld [smem:$0x3F9C];
	s0 =	simm.s32 @p1 $0x1  }
0x15: {  	[smem:$0x3FB9] =	sst s0;
	s0 =	simm.s32 @!p2 $0x0  }
0x16: {  	s3 =	sld [smem:$0x3FDB];
	s0 =	simm.s32 @p2 $0x1  }
0x17: {  	s4 =	simm.s32 $0x1BF5;
	[smem:$0x3FBB] =	sst s0  }
0x18: {  	s0 =	sld [smem:$0x3F9E];
	_ =	swait.ge [sflag:s4], $0x0  }
0x19: {  	s7 =	sld [smem:$0x3F9F]  }
0x1a: {  	s8 =	sadd.s32 $0xFFFFE003, lr  }
0x1b: {  	s9 =	sadd.s32 $0xFFFFFEF7, lr;
	s5 =	simm.s32 $0xFFFFFFFF;
	p2 =	slt.u32 s8, $0xFFFFF086  }
0x1c: {  	p1 =	slt.u32 s9, $0xF7A;
	s5 =	simm.s32 @!p2 $0x0  }
0x1d: {  	s5 =	simm.s32 @p1 $0x1;
	p0 =	seq.s32 s7, s2  }
0x1e: {  	s7 =	smul.u32 @!p0 $0xF7A, s2;
	p2 =	seq.s32 @!p0 s5, $0x0  }
0x1f: {  	s9 =	smul.u32 $0xF7A, s1;
	s8 =	simm.s32 @!p0 $0x1BF5;
	p2 =	por !p2, p0  }
0x20: {  	[sflag:s8] =	ssyncset.s32 @!p0 $0xFFFFF086;
	s6 =	sadd.s32 @!p0 s3, s7;
	s7 =	simm.s32 @!p0 $0x108  }
0x21: {  	s3 =	sadd.s32 s3, s9;
	s6 =	sadd.s32 @!p0 $0x88, s6;
	s7 =	simm.s32 @p2 $0x1082  }
0x22: {  	[simem:s7], [sflag:s8] =	dma.local @!p0 [hbm:s6], $0xF7A  }
0x23: {  	s9 =	sor.u32 $0xD0000000, s2;
	s6 =	simm.s32 $0x108;
	_ =	swait.ge @!p0 [sflag:s8], $0x0  }
0x24: {  	s3 =	sadd.s32 $0x88, s3;
	s6 =	simm.s32 @!p1 $0x1082;
	[sflag:s4] =	ssyncset.s32 $0xFFFFF086  }
0x25: {  	[simem:s6], [sflag:s4] =	dma.local [hbm:s3], $0xF7A  }
0x26: {  	[smem:$0x3F9F] =	sst s1;
	(tag) =	ssettag s2;
	_ =	strace s9  }
0x27: {  	s1 =	sld [smem:$0x3FAF]  }
0x28: {  	s2 =	sld [smem:$0x3FB0]  }
0x29: {  	s4 =	sld [smem:$0x3FB2]  }
0x2a: {  	p0 =	seq.s32 s5, $0x0;
	s5 =	sld [smem:$0x3FB3]  }
0x2b: {  	s6 =	sld [smem:$0x3FB4]  }
0x2c: {  	s7 =	sld [smem:$0x3FB5]  }
0x2d: {  	s3 =	simm.s32 $0x108;
	s8 =	sld [smem:$0x3FB6]  }
0x2e: {  	s3 =	simm.s32 @!p0 $0x1082;
	s9 =	sld [smem:$0x3FB7]  }
0x2f: {  	lr =	sadd.s32 s0, s3;
	s0 =	sld [smem:$0x3FAE]  }
0x30: {  	s3 =	sld [smem:$0x3FB1]  }
0x31: {  	[smem:$0x3FBA] =	sst s10  }
0x32: {  	s10 =	sld [smem:$0x3FB8];
	_ =	sdelay $0x3  }
0x33: {  	p0 =	seq.s32 s10, $0x1;
	s10 =	sld [smem:$0x3FBA];
	_ =	sdelay $0x3  }
0x34: {  	[smem:$0x3FBA] =	sst s10  }
0x35: {  	s10 =	sld [smem:$0x3FB9];
	_ =	sdelay $0x3  }
0x36: {  	p1 =	seq.s32 s10, $0x1;
	s10 =	sld [smem:$0x3FBA];
	_ =	sdelay $0x3  }
0x37: {  	[smem:$0x3FBA] =	sst s10  }
0x38: {  	s10 =	sld [smem:$0x3FBB]  }
0x39: {  	_ = 	snop;
	(pc) =	sbr.ind lr, $3  }
0x3a: {  	_ = 	snop  }
0x3b: {  	_ = 	snop  }
0x3c: {  	p2 =	seq.s32 s10, $0x1;
	s10 =	sld [smem:$0x3FBA]  }
0x3d: {  	_ =	shalt  }
0x3e: {  	_ =	shalt  }
0x3f: {  	_ =	shalt  }
0x40: {  	_ =	shalt  }
0x41: {  	_ =	shalt  }
0x42: {  	_ =	shalt  }
0x43: {  	_ =	shalt  }
0x44: {  	_ =	shalt  }
0x45: {  	_ =	shalt  }
0x46: {  	_ =	shalt  }
0x47: {  	_ =	shalt  }
0x48: {  	_ =	shalt  }
0x49: {  	_ =	shalt  }
0x4a: {  	_ =	shalt  }
0x4b: {  	_ =	shalt  }
0x4c: {  	_ =	shalt  }
0x4d: {  	_ =	shalt  }
0x4e: {  	_ =	shalt  }
0x4f: {  	_ =	shalt  }
0x50: {  	_ =	shalt  }
0x51: {  	_ =	shalt  }
0x52: {  	_ =	shalt  }
0x53: {  	_ =	shalt  }
0x54: {  	_ =	shalt  }
0x55: {  	_ =	shalt  }
0x56: {  	_ =	shalt  }
0x57: {  	_ =	shalt  }
0x58: {  	_ =	shalt  }
0x59: {  	_ =	shalt  }
0x5a: {  	_ =	shalt  }
0x5b: {  	_ =	shalt  }
0x5c: {  	_ =	shalt  }
0x5d: {  	_ =	shalt  }
0x5e: {  	_ =	shalt  }
0x5f: {  	_ =	shalt  }
0x60: {  	_ =	shalt  }
0x61: {  	_ =	shalt  }
0x62: {  	_ =	shalt  }
0x63: {  	_ =	shalt  }
0x64: {  	_ =	shalt  }
0x65: {  	_ =	shalt  }
0x66: {  	_ =	shalt  }
0x67: {  	_ =	shalt  }
0x68: {  	_ =	shalt  }
0x69: {  	_ =	shalt  }
0x6a: {  	_ =	shalt  }
0x6b: {  	_ =	shalt  }
0x6c: {  	_ =	shalt  }
0x6d: {  	_ =	shalt  }
0x6e: {  	_ =	shalt  }
0x6f: {  	_ =	shalt  }
0x70: {  	_ =	shalt  }
0x71: {  	_ =	shalt  }
0x72: {  	_ =	shalt  }
0x73: {  	_ =	shalt  }
0x74: {  	_ =	shalt  }
0x75: {  	_ =	shalt  }
0x76: {  	_ =	shalt  }
0x77: {  	_ =	shalt  }
0x78: {  	_ =	shalt  }
0x79: {  	_ =	shalt  }
0x7a: {  	_ =	shalt  }
0x7b: {  	_ =	shalt  }
0x7c: {  	_ =	shalt  }
0x7d: {  	_ =	shalt  }
0x7e: {  	_ =	shalt  }
0x7f: {  	_ =	shalt  }
0x80: {  	_ =	shalt  }
0x81: {  	_ =	shalt  }
0x82: {  	_ =	shalt  }
0x83: {  	_ =	shalt  }
0x84: {  	_ =	shalt  }
0x85: {  	_ =	shalt  }
0x86: {  	_ =	shalt  }
0x87: {  	_ =	shalt  }
.Lfunc_end0:
.L_simem_size_0:
called_computation_lowered:
.L_overlay_start_0:
0x88: {  	s2 =	sld [smem:$0x3FD9]  }
0x89: {  	s3 =	sld [smem:$0x3FFE];
	_ =	sdelay $0x1  }
0x8a: {  	s1 =	srdreg.scid  }
0x8b: {  	s0 =	sand.u32 $0x1, s1  }
0x8c: {  	s16 =	sshll.u32 s0, $0xA;
	s2 =	sadd.s32 s3, s2  }
0x8d: {  	s2 =	sadd.s32 s2, s16  }
0x8e: {  	[smem:$0x3FC6] =	sst s2  }
0x8f: {  	_ = 	snop  }
0x90: {  	(tm) =	ssettm $0x1  }
0x91: {  	s17 =	sld [smem:$0x3FFB];
	_ =	sdelay $0x3  }
0x92: {  	_ =	strace s17  }
0x93: {  	s2 =	sld [smem:$0x3FFC];
	_ =	sdelay $0x3  }
0x94: {  	_ =	strace s2  }
0x95: {  	s2 =	sld [smem:$0x3FFD];
	_ =	sdelay $0x3  }
0x96: {  	_ =	strace s2  }
0x97: {  	_ =	strace $0x8FFFFFFF  }
0x98: {  	s18 =	sld [smem:$0x3FDB];
	_ =	sdelay $0x1  }
0x99: {  	s19 =	simm.s32 $_scs_section_size  }
0x9a: {  	s4 =	simm.s32 $_size__tile_overlayer_lowered;
	s5 =	simm.s32 $_tile_overlayer_lowered  }
0x9b: {  	s22 =	simm.s32 $0x1BFF;
	s21 =	sshll.u32 s5, $0x1;
	s2 =	sadd.s32 s19, s18  }
0x9c: {  	s6 =	simm.s32 $0x0;
	s20 =	sshll.u32 s4, $0x1;
	s4 =	sadd.s32 s21, s2  }
0x9d: {  	[timem:s6], [sflag:s22] =	dma.local [hbm:s4], s20  }
0x9e: {  	_ =	swait.ge [sflag:s22], s20  }
0x9f: {  	s3 =	ssub.s32 $0x0, s20;
	[sflag:s22] =	ssyncset.done $0x0  }
0xa0: {  	[sflag:s22] =	ssyncadd.s32 s3;
	_ =	sdelay $0x1  }
0xa1: {  	s23 =	simm.s32 $0x1B8B  }
0xa2: {  	_ =	swait.ge [sflag:s23], $0x1  }
0xa3: {  	[sflag:s23] =	ssyncset.done $0x0  }
0xa4: {  	s25 =	simm.s32 $0x1B8E;
	s24 =	sld [smem:$0x3FFE];
	[sflag:s23] =	ssyncadd.s32 $0xFFFFFFFF  }
0xa5: {  	s26 =	simm.s32 $execute0_lowered;
	[smem:$0x3FD2] =	sst s25  }
0xa6: {  	s4 =	sshll.u32 s26, $0x1;
	_ =	strace $0x80000046;
	[dreg:$0x1] =	wrdreg $0xFFFFFFFF  }
0xa7: {  	s28 =	simm.s32 $_size_execute0_lowered;
	s2 =	sadd.s32 s2, s4;
	[dreg:$0x0] =	wrdreg $0x0  }
0xa8: {  	s4 =	sshll.u32 s28, $0x1;
	[dreg:$0x2] =	wrdreg s2  }
0xa9: {  	[dreg:$0x3] =	wrdreg s4  }
0xaa: {  	[dreg:$0x4] =	wrdreg $0xC0  }
0xab: {  	_ =	task [dreg:s6], $0x5FFFF  }
0xac: {  	[dreg:$0x1] =	wrdreg $0xFFFFFFFF  }
0xad: {  	[dreg:$0x0] =	wrdreg $0x60  }
0xae: {  	[dreg:$0x2] =	wrdreg s24  }
0xaf: {  	[dreg:$0x3] =	wrdreg $0x9  }
0xb0: {  	_ =	task.clear_ibuf [dreg:s6], $0x4FFFF;
	_ =	strace $0x90000046  }
0xb1: {  	s29 =	simm.s32 $0x9;
	_ =	strace $0x80000048  }
0xb2: {  	_ =	swait.ge [sflag:s29], $0x1  }
0xb3: {  	[sflag:s29] =	ssyncadd.s32 $0xFFFFFFFF  }
0xb4: {  	_ =	strace $0x90000048  }
0xb5: {  	_ =	sfence  }
0xb6: {  	s30 =	sld [smem:$0x0];
	_ =	sdelay $0x2  }
0xb7: {  	s31 =	sshll.u32 s1, $0xD;
	s1 =	sshrl.u32 s1, $0x2  }
0xb8: {  	s3 =	sand.u32 $0x4000, s31;
	s1 =	sadd.s32 s1, s30  }
0xb9: {  	s0 =	sor.u32 s3, s0;
	s1 =	sshll.u32 s1, $0x11  }
0xba: {  	s0 =	sor.u32 s1, s0  }
0xbb: {  	s0 =	sadd.s32 $0x8F2B, s0  }
0xbc: {  	[sflag:s0] =	ssyncadd.remote.s32 $0x1  }
0xbd: {  	_ =	sfence.sel $0xFFFF  }
0xbe: {  	[dreg:$0x0] =	wrdreg $0xFFFFFFFF;
	(pc) =	sbr.abs _section_cstart, $3  }
0xbf: {  	[dreg:$0x1] =	wrdreg $0xFFFFFFFF  }
0xc0: {  	_ =	task.clear_ibuf [dreg:s6], $0x2FFFF;
	_ =	strace $0x9FFFFFFF  }
0xc1: {  	(tm) =	ssettm $0x7FFFFFFF  }
tec
execute0_lowered:
.L_overlay_start_1:
0x0: {  	(tag) =	ssettag $0x1  }
0x1: {  	s10 =	rddreg [dreg:$0x0]  }
0x2: {  	s0 =	rddreg [dreg:$0x1];
	s1 =	simm.s32 $0x0  }
0x3: {  	s3 =	srdreg.scid;
	s6 =	stileid.u32;
	s13 =	simm.s32 $0x11A00  }
0x4: {  	s14 =	simm.s32 $0x1;
	s15 =	simm.s32 $0x12100;
	s16 =	simm.s32 $0x6A00  }
0x5: {  	s17 =	simm.s32 $0x2;
	s18 =	simm.s32 $0x12800;
	s19 =	simm.s32 $0x12880  }
0x6: {  	s20 =	simm.s32 $0x12900;
	s21 =	simm.s32 $0x0;
	[smem:$0x7FF] =	sst s1  }
.Ltmp0:
0x7: {  	s2 =	sadd.s32 $0x22D600, s10;
	s3 =	sand.u32 $0x1, s3;
	(pc) =	sbr.rel .LBB2_1-.Ltmp0, $4  }
0x8: {  	s4 =	sadd.s32 $0xE00, s10;
	s5 =	sadd.s32 $0x1000, s10;
	s11 =	ssub.s32 $0x2, s3  }
0x9: {  	s7 =	sadd.s32 $0x1200, s10;
	s8 =	sadd.s32 $0x2800, s10;
	s12 =	sshrl.u32 s11, $0x1  }
0xa: {  	s9 =	sadd.s32 $0x2A00, s10;
	s10 =	sadd.s32 $0x2C00, s10;
	s12 =	ssub.s32 s11, s12  }
0xb: {  	v0 =	vlaneseq.u32;
	v1 =	vimm.s32 $0x1;
	v2 =	vimm.s32 $0x0;
	_ =	strace $0x80000047;
	s11 =	sshll.u32 s6, $0x1;
	s12 =	smax.u32 s12, $0x1  }
.LBB2_11:
0xc: {  	s21 =	sadd.s32 $0x1, s21  }
0xd: {  	p0 =	sne.s32 s21, s12  }
.Ltmp1:
0xe: {  	_ = 	snop;
	(pc) =	sbr.rel @!p0 .LBB2_12-.Ltmp1, $1  }
0xf: {  	_ =	sdelay $0x3  }
.LBB2_1:
0x10: {  	[tilespmem:s13], [sflag:$0x1] =	stream.linear.gather [hbm4b:s4+s1], $0x700, $0x38;
	[tilespmem:$0x12980] =	vst v63  }
0x11: {  	_ =	swait.ge [sflag:s14], $0x700  }
0x12: {  	[sflag:s14] =	ssyncset.done $0x0  }
0x13: {  	[sflag:s14] =	ssyncadd.s32 $0xFFFFF900  }
0x14: {  	[tilespmem:s15], [sflag:$0x1] =	stream.linear.gather [hbm4b:s5+s1], $0x700, $0x38;
	[tilespmem:$0x12980] =	vst v63  }
0x15: {  	_ =	swait.ge [sflag:s14], $0x700  }
0x16: {  	[sflag:s14] =	ssyncset.done $0x0  }
.Ltmp2:
0x17: {  	[sflag:s14] =	ssyncadd.s32 $0xFFFFF900;
	(pc) =	sbr.rel .LBB2_2-.Ltmp2, $4  }
0x18: {  	[tilespmem:s16], [sflag:$0x1] =	stream.linear.gather [hbm4b:s7+s1], $0xB000, $0x38;
	[tilespmem:$0x12980] =	vst v63  }
0x19: {  	_ =	swait.ge [sflag:s14], $0xB000  }
0x1a: {  	[sflag:s14] =	ssyncset.done $0x0  }
0x1b: {  	s22 =	simm.s32 $0x0;
	[sflag:s14] =	ssyncadd.s32 $0xFFFF5000  }
.LBB2_10:
0x1c: {  	s22 =	sadd.s32 $0x1, s22  }
0x1d: {  	p0 =	sne.s32 s22, $0x3  }
.Ltmp3:
0x1e: {  	_ = 	snop;
	(pc) =	sbr.rel @!p0 .LBB2_11-.Ltmp3, $1  }
0x1f: {  	_ =	sdelay $0x3  }
.LBB2_2:
0x20: {  	s23 =	sshll.u32 s22, $0x5  }
0x21: {  	s23 =	sor.u32 s11, s23  }
0x22: {  	p0 =	sgt.u32 s23, $0x53  }
.Ltmp4:
0x23: {  	_ = 	snop;
	(pc) =	sbr.rel @p0 .LBB2_10-.Ltmp4, $1  }
0x24: {  	_ =	sdelay $0x3  }
0x25: {  	s23 =	sor.u32 s3, s23  }
0x26: {  	s24 =	smul.u32 $0xD40, s23;
	_ =	sdelay $0x1  }
0x27: {  	s25 =	simm.s32 $0x0;
	s24 =	sadd.s32 s2, s24  }
0x28: {  	[tilespmem:s25], [sflag:$0x2] =	stream.linear.gather [hbm4b:s24+s25], $0x6A00, $0x38;
	[tilespmem:$0x12980] =	vst v63  }
0x29: {  	_ =	swait.ge [sflag:s17], $0x6A00  }
0x2a: {  	[sflag:s17] =	ssyncset.done $0x0  }
0x2b: {  	s31 =	simm.s32 $0x0;
	[sflag:s17] =	ssyncadd.s32 $0xFFFF9600  }
0x2c: {  	v3 =	vimm.f32 $0.0e+00;
	s24 =	simm.s32 $0x40;
	v4 =	vld [tilespmem:s31+$0x0]  }
.LBB2_4:
0x2d: {  	p0 =	sne.s32 s24, $0x1A7C0  }
.Ltmp5:
0x2e: {  	_ = 	snop;
	(pc) =	sbr.rel @p0 .LBB2_4-.Ltmp5, $3  }
0x2f: {  	_ =	sdelay $0x1  }
0x30: {  	s25 =	sshra.s32 s24, $0x2;
	s24 =	sadd.s32 $0x40, s24;
	v3 =	vmax.f32 v3, v4  }
0x31: {  	v4 =	vld [tilespmem:s25+$0x0]  }
0x32: {  	_ =	sdelay $0x3  }
0x33: {  	v3 =	vmax.f32 v3, v4  }
0x34: {  	v4 =	vshra.s32 v3, $0x10  }
0x35: {  	s25 =	simm.s32 $0x0;
	s24 =	simm.s32 $0x40;
	v4 =	vadd.s32 $0xFFFFF501, v4  }
.LBB2_6:
0x36: {  	p0 =	sne.s32 s24, $0x1A7C0;
	v5 =	vld [tilespmem:s25+$0x0];
	_ =	sdelay $0x4  }
0x37: {  	v5 =	vshra.s32 v5, $0x10  }
0x38: {  	v5 =	vsub.s32 v5, v4  }
0x39: {  	vm0 =	vgt.s32 v5, $0x0  }
0x3a: {  	v5 =	vnsel vm0, $0x0, v5  }
0x3b: {  	v5 =	vmin.u32 v5, $0xAFF  }
0x3c: {  	v5 =	vshll.u32 v5, $0x4  }
0x3d: {  	v5 =	vor.u32 v0, v5  }
.Ltmp6:
0x3e: {  	(pc) =	sbr.rel @p0 .LBB2_6-.Ltmp6, $2  }
0x3f: {  	_ =	sdelay $0x2  }
0x40: {  	s25 =	sshra.s32 s24, $0x2;
	s24 =	sadd.s32 $0x40, s24;
	[tilespmem:v5+s16+$0x0] =	vst.idx.add.s32.msk $0xffff, v1  }
0x41: {  	v5 =	vld [tilespmem:s25+$0x0];
	_ =	sdelay $0x4  }
0x42: {  	v5 =	vshra.s32 v5, $0x10  }
0x43: {  	v5 =	vsub.s32 v5, v4  }
0x44: {  	vm0 =	vgt.s32 v5, $0x0  }
0x45: {  	v5 =	vnsel vm0, $0x0, v5  }
0x46: {  	v5 =	vmin.u32 v5, $0xAFF  }
0x47: {  	v5 =	vshll.u32 v5, $0x4  }
0x48: {  	v5 =	vor.u32 v0, v5;
	_ =	sdelay $0x4  }
0x49: {  	s24 =	simm.s32 $0x119F0;
	[tilespmem:v5+s16+$0x0] =	vst.idx.add.s32.msk $0xffff, v1  }
0x4a: {  	v5 =	vld [tilespmem:s24+$0x0];
	_ =	sdelay $0x3  }
0x4b: {  	v6 =	vimm.s32 $0x0  }
0x4c: {  	v7 =	vadd.s32 v6, v5  }
0x4d: {  	s30 =	simm.s32 $0x119E0;
	[tilespmem:s24+$0x0] =	vst v2  }
0x4e: {  	v8 =	vld [tilespmem:s30+$0x0];
	_ =	sdelay $0x2  }
0x4f: {  	v6 =	vld.idx.msk [tilespmem:v7+s13+$0x0], $0xffff  }
0x50: {  	s24 =	simm.s32 $0x119D0;
	v5 =	vld.idx.msk [tilespmem:v7+s15+$0x0], $0xffff;
	[tilespmem:s30+$0x0] =	vst v2  }
0x51: {  	s31 =	simm.s32 $0xAFF;
	v11 =	vadd.s32 v7, v8;
	v12 =	vld [tilespmem:s24+$0x0]  }
0x52: {  	v8 =	vadd.s32 s31, v4;
	v7 =	vand.u32 $0xFFFF0000, v3  }
0x53: {  	v10 =	vshll.u32 v8, $0x10;
	v9 =	vadd.s32 $0x10000, v7  }
0x54: {  	v7 =	vimm.f32 $0.0e+00;
	v13 =	vsub.f32 v9, v10  }
0x55: {  	v14 =	vadd.f32 v6, v7;
	v15 =	vadd.f32 v5, v7  }
0x56: {  	v8 =	vld.idx.msk [tilespmem:v11+s15+$0x0], $0xffff;
	v12 =	vadd.s32 v11, v12  }
0x57: {  	s26 =	simm.s32 $0xAFE;
	s25 =	simm.s32 $0xAFD;
	s28 =	simm.s32 $0xAFC;
	v9 =	vld.idx.msk [tilespmem:v11+s13+$0x0], $0xffff;
	[tilespmem:s24+$0x0] =	vst v2;
	v11 =	vimm.f32 $0.0e+00;
	v14 =	vmul.f32 v14, v13;
	v13 =	vmul.f32 v15, v13  }
.LBB2_8:
0x58: {  	p0 =	sne.s32 s28, $0x0  }
0x59: {  	s24 =	sadd.s32 $0xFFFFFFF0, s24;
	v7 =	vadd.f32 v14, v7;
	s29 =	smov.u32 s28;
	s28 =	sadd.s32 $0xFFFFFFFF, s28  }
0x5a: {  	v14 =	vadd.s32 s26, v4;
	s26 =	smov.u32 s25;
	v15 =	vld [tilespmem:s24+$0x0];
	v11 =	vadd.f32 v13, v11;
	s25 =	smov.u32 s29  }
.Ltmp7:
0x5b: {  	v13 =	vshll.u32 v14, $0x10;
	(pc) =	sbr.rel @p0 .LBB2_8-.Ltmp7, $4  }
0x5c: {  	v16 =	vsub.f32 v10, v13;
	v14 =	vadd.f32 v9, v6;
	v10 =	vmovc v13;
	v6 =	vmov v9  }
0x5d: {  	v13 =	vadd.f32 v8, v5;
	v5 =	vmov v8;
	v9 =	vld.idx.msk [tilespmem:v12+s13+$0x0], $0xffff  }
0x5e: {  	v14 =	vmul.f32 v14, v16;
	v8 =	vld.idx.msk [tilespmem:v12+s15+$0x0], $0xffff  }
0x5f: {  	v13 =	vmul.f32 v13, v16;
	[tilespmem:s24+$0x0] =	vst v2;
	v12 =	vadd.s32 v12, v15  }
0x60: {  	_ =	sdelay $0x3  }
0x61: {  	v15 =	vld.idx.msk [tilespmem:v12+s13+$0x0], $0xffff  }
0x62: {  	v16 =	vadd.s32 s26, v4;
	v57 =	vld.idx.msk [tilespmem:v12+s15+$0x0], $0xffff  }
0x63: {  	v16 =	vshll.u32 v16, $0x10  }
0x64: {  	v58 =	vadd.s32 s25, v4;
	v10 =	vsub.f32 v10, v16;
	v6 =	vadd.f32 v9, v6  }
0x65: {  	v7 =	vadd.f32 v14, v7;
	v4 =	vshll.u32 v58, $0x10;
	v5 =	vadd.f32 v8, v5  }
0x66: {  	v59 =	vsub.f32 v16, v4;
	v6 =	vmul.f32 v6, v10;
	v60 =	vadd.f32 v15, v9  }
0x67: {  	v11 =	vadd.f32 v13, v11;
	v5 =	vmul.f32 v5, v10;
	v61 =	vadd.f32 v57, v8  }
0x68: {  	v6 =	vadd.f32 v6, v7;
	v62 =	vmul.f32 v60, v59  }
0x69: {  	v5 =	vadd.f32 v5, v11;
	v8 =	vmul.f32 v61, v59  }
0x6a: {  	v6 =	vadd.f32 v62, v6  }
0x6b: {  	v5 =	vadd.f32 v8, v5  }
0x6c: {  	v63 =	vmul.f32 v4, v15;
	v6 =	vmul.f32 $5.000000000e-01, v6  }
0x6d: {  	v4 =	vmul.f32 v4, v57;
	v5 =	vmul.f32 $5.000000000e-01, v5  }
0x6e: {  	v6 =	vadd.f32 v6, v63  }
0x6f: {  	[tilespmem:$0x12900] =	vst v3;
	v4 =	vadd.f32 v5, v4  }
0x70: {  	s23 =	sshll.u32 s23, $0x1;
	[tilespmem:$0x12800] =	vst v6  }
0x71: {  	s24 =	sadd.s32 s8, s23;
	[tilespmem:$0x12880] =	vst v4  }
0x72: {  	[hbm4b:s24+s1] =	stream.linear.scatter [tilespmem:s18], [sflag:$0x2], $0x10, $0x38;
	[tilespmem:$0x12980] =	vst v63  }
0x73: {  	_ =	swait.ge [sflag:s17], $0x10  }
0x74: {  	[sflag:s17] =	ssyncset.done $0x0  }
0x75: {  	s31 =	sadd.s32 s9, s23;
	[sflag:s17] =	ssyncadd.s32 $0xFFFFFFF0  }
0x76: {  	[hbm4b:s31+s1] =	stream.linear.scatter [tilespmem:s19], [sflag:$0x2], $0x10, $0x38;
	[tilespmem:$0x12980] =	vst v63  }
0x77: {  	_ =	swait.ge [sflag:s17], $0x10  }
0x78: {  	[sflag:s17] =	ssyncset.done $0x0  }
.Ltmp8:
0x79: {  	s23 =	sadd.s32 s10, s23;
	[sflag:s17] =	ssyncadd.s32 $0xFFFFFFF0;
	(pc) =	sbr.rel .LBB2_10-.Ltmp8, $4  }
0x7a: {  	[hbm4b:s23+s1] =	stream.linear.scatter [tilespmem:s20], [sflag:$0x1], $0x10, $0x38;
	[tilespmem:$0x12980] =	vst v63  }
0x7b: {  	_ =	swait.ge [sflag:s14], $0x10  }
0x7c: {  	[sflag:s14] =	ssyncset.done $0x0  }
0x7d: {  	[sflag:s14] =	ssyncadd.s32 $0xFFFFFFF0  }
.LBB2_12:
0x7e: {  	_ =	sfence.sel $0x180000  }
0x7f: {  	[bflag:$0x0] =	sbarrier.arrive $0xFFFF  }
0x80: {  	p0 =	sne.s32 s6, $0x0;
	_ =	strace $0x90000047  }
0x81: {  	s0 =	sadd.s32 @!p0 $0x100000, s0;
	[bflag:$0x2] =	sbarrier.arrive $0xFFFF  }
0x82: {  	[sflag:s0] =	ssyncadd.tile.s32 @!p0 $0x1;
	_ =	shalt  }
.Lfunc_end2:
_tile_overlayer_lowered:
.L_overlay_start_2:
0x83: {  	(tag) =	ssettag $0x2  }
0x84: {  	s0 =	rddreg [dreg:$0x0];
	s2 =	stileid.u32  }
0x85: {  	s1 =	rddreg [dreg:$0x1];
	p0 =	sne.s32 s2, $0x0  }
0x86: {  	s3 =	rddreg [dreg:$0x2];
	[bflag:$0x3] =	sbarrier.arrive $0xFFFF;
	s2 =	simm.s32 @!p0 $0x1C01  }
0x87: {  	[timem:s3], [sflag:s2] =	dma.local @!p0 [hbm:s0], s1  }
0x88: {  	s0 =	simm.s32 @!p0 $0x1  }
0x89: {  	_ =	swait.ge @!p0 [sflag:s0], s1  }
0x8a: {  	s1 =	ssub.s32 @!p0 $0x0, s1;
	[sflag:s0] =	ssyncset.done @!p0 $0x0  }
0x8b: {  	[sflag:s0] =	ssyncadd.s32 @!p0 s1  }
0x8c: {  	[bflag:$0x3] =	sbarrier.arrive $0xFFFF  }
0x8d: {  	_ =	shalt  }

</sc_bundles>
